<compile_context>
chip_gen: v7x
topology: tpu7x:2x2x1
jax: 0.10.2.dev20260603
libtpu: 0.0.44.dev20260713+nightly
codegen_flags: <defaults>
</compile_context>

<pallas_src>
import functools
import jax
import jax.numpy as jnp
from jax import lax
from jax.experimental import pallas as pl
from jax.experimental.pallas import tpu as pltpu
from jax.experimental.pallas import tpu_sc as plsc


def _tc_body(x_ref, o_ref, *, off):
    i = pl.program_id(0)
    x = x_ref[...]
    r, c = x.shape
    ones_c = jnp.full((c, 1), 1.0, dtype=jnp.float32)
    s = jax.lax.dot_general(x, ones_c, (((1,), (0,)), ((), ())),
                            preferred_element_type=jnp.float32)

    @pl.when(i == 0)
    def _init():
        o_ref[...] = jnp.zeros_like(o_ref)

    o_ref[...] += s[0:1, 0:1]


def _tc_part(x, start_blk, nblk, rows):
    n, c = x.shape
    out = pl.pallas_call(
        functools.partial(_tc_body, off=start_blk),
        grid=(nblk,),
        in_specs=[pl.BlockSpec((rows, c), lambda i: (i + start_blk, 0))],
        out_specs=pl.BlockSpec((1, 1), lambda i: (0, 0)),
        out_shape=jax.ShapeDtypeStruct((1, 1), jnp.float32),
    )(x)
    return out.reshape(1)


def _sc_part(x, nch_lo, nch_hi):
    n, c = x.shape
    nw = 32
    ch = 1000
    span = nch_hi - nch_lo
    trips = (span + nw - 1) // nw
    mesh = plsc.VectorSubcoreMesh(core_axis_name="c", subcore_axis_name="s")

    @functools.partial(
        pl.kernel, mesh=mesh,
        out_type=jax.ShapeDtypeStruct((nw, 16), jnp.float32),
        scratch_types=[
            pltpu.VMEM((ch, c), jnp.float32),
            pltpu.VMEM((16,), jnp.float32),
        ],
    )
    def k(x_hbm, out_hbm, buf, ovec):
        cid = lax.axis_index("c")
        sid = lax.axis_index("s")
        wid = sid * 2 + cid

        def body(t, acc):
            cidx = nch_lo + t * nw + wid

            @pl.when(cidx < nch_hi)
            def _():
                pltpu.sync_copy(x_hbm.at[pl.ds(cidx * ch, ch), :], buf)

            return acc + buf[0, 0:16]

        acc = lax.fori_loop(0, trips, body, jnp.zeros((16,), jnp.float32))
        ovec[...] = acc
        pltpu.sync_copy(ovec, out_hbm.at[wid])

    out = k(x)
    return jnp.sum(out).reshape(1)


def kernel(logits, labels):
    n, c = logits.shape
    a = _sc_part(logits, 0, 250)
    b = _tc_part(logits, 125, 125, 2000)
    return a + b

# --- scband reference (transcript-rebuilt; emitter-appended) ---
"""Pipeline reference for scband-eceloss-30734785970356 (READ-ONLY COPY).

The authoritative reference and input builder live on the scoring server;
editing this copy changes nothing except your own understanding.
"""

import jax, jax.numpy as jnp
import numpy as np

N_BINS = 15


def setup_inputs(seed: int = 0) -> dict:
    key = jax.random.key(seed)
    k1, k2 = jax.random.split(key)
    logits = jax.random.normal(k1, (500000, 100), dtype=jnp.float32)
    labels = jax.random.randint(k2, (500000,), 0, 100, dtype=jnp.int32)
    return {"logits": logits, "labels": labels}


def reference(logits, labels):
    softmaxes = jax.nn.softmax(logits, axis=-1)
    confidences = jnp.max(softmaxes, axis=-1)
    predictions = jnp.argmax(softmaxes, axis=-1)
    accuracies = (predictions == labels)
    bin_boundaries = np.linspace(0.0, 1.0, N_BINS + 1)
    n = confidences.shape[0]
    ece = jnp.zeros((1,), dtype=jnp.float32)
    for i in range(N_BINS):
        bin_lower = float(bin_boundaries[i])
        bin_upper = float(bin_boundaries[i + 1])
        in_bin = (confidences > bin_lower) & (confidences <= bin_upper)
        in_bin_f = in_bin.astype(jnp.float32)
        cnt = jnp.sum(in_bin_f)
        prop_in_bin = cnt / n
        safe_cnt = jnp.maximum(cnt, 1.0)
        accuracy_in_bin = jnp.sum(accuracies.astype(jnp.float32) * in_bin_f) / safe_cnt
        avg_confidence_in_bin = jnp.sum(confidences * in_bin_f) / safe_cnt
        gap = jnp.abs(avg_confidence_in_bin - accuracy_in_bin) * prop_in_bin
        ece = ece + jnp.where(cnt > 0, gap, 0.0)
    return ece

if __name__ == "__main__":
    import jax
    _d = setup_inputs()
    print(jax.jit(kernel)(*tuple(_d.values())))

</pallas_src>

<mosaic_0001>
#map = affine_map<(d0, d1) -> (0, 0)>
module attributes {stable_mosaic.version = 14 : i64} {
  func.func @k(%arg0: i32, %arg1: i32, %arg2: memref<500000x100xf32, #tpu.memory_space<hbm>>, %arg3: memref<32x16xf32, #tpu.memory_space<hbm>>, %arg4: memref<1000x100xf32, #tpu.memory_space<vmem>>, %arg5: memref<16xf32, #tpu.memory_space<vmem>>) attributes {dimension_semantics = [#tpu.dimension_semantics<core_parallel>, #tpu.dimension_semantics<subcore_parallel>], iteration_bounds = array<i64: 2, 16>, scalar_prefetch = 0 : i64, scratch_operands = 2 : i64, tpu.core_type = #tpu.core_type<sc_vector_subcore>, window_params = [{transform_indices = #map}, {transform_indices = #map}]} {
    %mul3A = arith.constant 2 : i32
    %mul3A_0 = arith.muli %arg1, %mul3A : i32
    %add3A = arith.addi %mul3A_0, %arg0 : i32
    %broadcast_in_dim3A = arith.constant 0.000000e+00 : f32
    %broadcast_in_dim3A_1 = vector.broadcast %broadcast_in_dim3A : f32 to vector<16xf32>
    %scan3A = arith.constant 0 : i32
    %scan3A_2 = arith.constant 8 : i32
    %scan3A_3 = arith.addi %scan3A, %scan3A_2 : i32
    %scan3A_4 = arith.constant 1 : i32
    %scan3A_5 = scf.for %scan3A_10 = %scan3A to %scan3A_3 step %scan3A_4 iter_args(%scan3A_11 = %broadcast_in_dim3A_1) -> (vector<16xf32>)  : i32 {
      %mul3A_12 = arith.constant 32 : i32
      %mul3A_13 = arith.muli %scan3A_10, %mul3A_12 : i32
      %add3A_14 = arith.constant 0 : i32
      %add3A_15 = arith.addi %add3A_14, %mul3A_13 : i32
      %add3A_16 = arith.addi %add3A_15, %add3A : i32
      %lt3A = arith.constant 250 : i32
      %lt3A_17 = arith.cmpi slt, %add3A_16, %lt3A : i32
      %convert_element_type3A = arith.extui %lt3A_17 : i1 to i32
      %cond3A = arith.constant 0 : i32
      %cond3A_18 = arith.cmpi ne, %convert_element_type3A, %cond3A : i32
      scf.if %cond3A_18 {
        %mul3A_24 = arith.constant 1000 : i32
        %mul3A_25 = arith.muli %add3A_16, %mul3A_24 : i32
        "tpu.region"() ({
          %run_scoped3A = tpu.sem_alloc : memref<!tpu.dma_semaphore, #tpu.memory_space<semaphore_mem>>
          %dma_start3A = arith.constant 0 : i32
          %dma_start3A_26 = tpu.memref_slice %arg2[%mul3A_25, %dma_start3A] : memref<500000x100xf32, #tpu.memory_space<hbm>> -> memref<1000x100xf32, #tpu.memory_space<hbm>>
          %dma_start3A_27 = arith.constant 0 : i32
          %dma_start3A_28 = tpu.memref_slice %arg2[%mul3A_25, %dma_start3A_27] : memref<500000x100xf32, #tpu.memory_space<hbm>> -> memref<1000x100xf32, #tpu.memory_space<hbm>>
          tpu.enqueue_dma source(%dma_start3A_28 : memref<1000x100xf32, #tpu.memory_space<hbm>>) target(%arg4 : memref<1000x100xf32, #tpu.memory_space<vmem>>) target_semaphore(%run_scoped3A : memref<!tpu.dma_semaphore, #tpu.memory_space<semaphore_mem>>)
          %dma_wait3A = arith.constant 0 : i32
          %dma_wait3A_29 = tpu.memref_slice %arg2[%mul3A_25, %dma_wait3A] : memref<500000x100xf32, #tpu.memory_space<hbm>> -> memref<1000x100xf32, #tpu.memory_space<hbm>>
          %dma_wait3A_30 = arith.constant 0 : i32
          %dma_wait3A_31 = tpu.memref_slice %arg2[%mul3A_25, %dma_wait3A_30] : memref<500000x100xf32, #tpu.memory_space<hbm>> -> memref<1000x100xf32, #tpu.memory_space<hbm>>
          tpu.wait_dma2 semaphore(%run_scoped3A : memref<!tpu.dma_semaphore, #tpu.memory_space<semaphore_mem>>) src(%dma_wait3A_31 : memref<1000x100xf32, #tpu.memory_space<hbm>>) dst(%arg4 : memref<1000x100xf32, #tpu.memory_space<vmem>>)
          tpu.yield
        }) : () -> ()
      } else {
      }
      %get3A = arith.constant 0 : i32
      %get3A_19 = arith.index_cast %get3A : i32 to index
      %get3A_20 = arith.constant 0 : index
      %get3A_21 = tpu.vector_load %arg4[%get3A_19, %get3A_20] {strides = array<i32>} : memref<1000x100xf32, #tpu.memory_space<vmem>>, vector<1x16xf32>,
      %get3A_22 = vector.shape_cast %get3A_21 : vector<1x16xf32> to vector<16xf32>
      %add3A_23 = arith.addf %scan3A_11, %get3A_22 : vector<16xf32>
      scf.yield %add3A_23 : vector<16xf32>
    }
    %scan3A_6 = arith.constant 8 : i32
    %swap3A = arith.constant 0 : index
    %swap3A_7 = tpu.vector_load %arg5[%swap3A] {strides = array<i32>} : memref<16xf32, #tpu.memory_space<vmem>>, vector<16xf32>,
    %swap3A_8 = vector.shape_cast %swap3A_7 : vector<16xf32> to vector<16xf32>
    %swap3A_9 = vector.shape_cast %scan3A_5 : vector<16xf32> to vector<16xf32>
    tpu.vector_store %arg5[%swap3A], %swap3A_9 {strides = array<i32>} : memref<16xf32, #tpu.memory_space<vmem>>, vector<16xf32>,
    "tpu.region"() ({
      %run_scoped3A = tpu.sem_alloc : memref<!tpu.dma_semaphore, #tpu.memory_space<semaphore_mem>>
      %dma_start3A = arith.constant 0 : i32
      %dma_start3A_10 = tpu.memref_slice %arg3[%add3A, %dma_start3A] : memref<32x16xf32, #tpu.memory_space<hbm>> -> memref<1x16xf32, #tpu.memory_space<hbm>>
      %dma_start3A_11 = tpu.memref_squeeze %dma_start3A_10 : memref<1x16xf32, #tpu.memory_space<hbm>> -> memref<16xf32, #tpu.memory_space<hbm>>
      %dma_start3A_12 = arith.constant 0 : i32
      %dma_start3A_13 = tpu.memref_slice %arg3[%add3A, %dma_start3A_12] : memref<32x16xf32, #tpu.memory_space<hbm>> -> memref<1x16xf32, #tpu.memory_space<hbm>>
      %dma_start3A_14 = tpu.memref_squeeze %dma_start3A_13 : memref<1x16xf32, #tpu.memory_space<hbm>> -> memref<16xf32, #tpu.memory_space<hbm>>
      tpu.enqueue_dma source(%arg5 : memref<16xf32, #tpu.memory_space<vmem>>) target(%dma_start3A_14 : memref<16xf32, #tpu.memory_space<hbm>>) target_semaphore(%run_scoped3A : memref<!tpu.dma_semaphore, #tpu.memory_space<semaphore_mem>>)
      %dma_wait3A = arith.constant 0 : i32
      %dma_wait3A_15 = tpu.memref_slice %arg3[%add3A, %dma_wait3A] : memref<32x16xf32, #tpu.memory_space<hbm>> -> memref<1x16xf32, #tpu.memory_space<hbm>>
      %dma_wait3A_16 = tpu.memref_squeeze %dma_wait3A_15 : memref<1x16xf32, #tpu.memory_space<hbm>> -> memref<16xf32, #tpu.memory_space<hbm>>
      %dma_wait3A_17 = arith.constant 0 : i32
      %dma_wait3A_18 = tpu.memref_slice %arg3[%add3A, %dma_wait3A_17] : memref<32x16xf32, #tpu.memory_space<hbm>> -> memref<1x16xf32, #tpu.memory_space<hbm>>
      %dma_wait3A_19 = tpu.memref_squeeze %dma_wait3A_18 : memref<1x16xf32, #tpu.memory_space<hbm>> -> memref<16xf32, #tpu.memory_space<hbm>>
      tpu.wait_dma2 semaphore(%run_scoped3A : memref<!tpu.dma_semaphore, #tpu.memory_space<semaphore_mem>>) src(%arg5 : memref<16xf32, #tpu.memory_space<vmem>>) dst(%dma_wait3A_19 : memref<16xf32, #tpu.memory_space<hbm>>)
      tpu.yield
    }) : () -> ()
    return
  }
}

module attributes {stable_mosaic.version = 14 : i64} {
  func.func @_tc_body(%arg0: i32, %arg1: memref<2000x100xf32, #tpu.memory_space<vmem>>, %arg2: memref<1x1xf32, #tpu.memory_space<vmem>>) attributes {dimension_semantics = [#tpu.dimension_semantics<arbitrary>], iteration_bounds = array<i64: 125>, scalar_prefetch = 0 : i64, scratch_operands = 0 : i64, tpu.core_type = #tpu.core_type<tc>, window_params = [{transform_indices = @transform_0, window_bounds = array<i64: 2000, 100>}, {pipeline_mode = #tpu.pipeline_mode<synchronous>, transform_indices = @transform_1, window_bounds = array<i64: 1, 1>}]} {
    %get3A = arith.constant 0 : index
    %get3A_0 = arith.constant 0 : index
    %get3A_1 = vector.load %arg1[%get3A, %get3A_0] : memref<2000x100xf32, #tpu.memory_space<vmem>>, vector<2000x100xf32>
    %broadcast_in_dim3A = arith.constant 1.000000e+00 : f32
    %broadcast_in_dim3A_2 = vector.broadcast %broadcast_in_dim3A : f32 to vector<100x1xf32>
    %dot_general3A = arith.constant dense<0.000000e+00> : vector<2000x1xf32>
    %dot_general3A_3 = tpu.matmul %get3A_1, %broadcast_in_dim3A_2, %dot_general3A {dimension_numbers = #tpu.dot_dimension_numbers<[1], [0], [0], [1], [0, 0, 1, 1], [], []>, transpose_lhs_hint = false} : vector<2000x100xf32>, vector<100x1xf32>, vector<2000x1xf32> -> vector<2000x1xf32>
    %eq3A = arith.constant 0 : i32
    %eq3A_4 = arith.cmpi eq, %arg0, %eq3A : i32
    %convert_element_type3A = arith.extui %eq3A_4 : i1 to i32
    %cond3A = arith.constant 0 : i32
    %cond3A_5 = arith.cmpi ne, %convert_element_type3A, %cond3A : i32
    scf.if %cond3A_5 {
      %broadcast_in_dim3A_11 = arith.constant 0.000000e+00 : f32
      %broadcast_in_dim3A_12 = vector.broadcast %broadcast_in_dim3A_11 : f32 to vector<1x1xf32>
      %swap3A_13 = arith.constant 0 : index
      %swap3A_14 = arith.constant 0 : index
      %swap3A_15 = vector.load %arg2[%swap3A_13, %swap3A_14] : memref<1x1xf32, #tpu.memory_space<vmem>>, vector<1x1xf32>
      tpu.vector_store %arg2[%swap3A_13, %swap3A_14], %broadcast_in_dim3A_12 {strides = array<i32>} : memref<1x1xf32, #tpu.memory_space<vmem>>, vector<1x1xf32>,
    } else {
    }
    %get3A_6 = arith.constant 0 : index
    %get3A_7 = arith.constant 0 : index
    %get3A_8 = vector.load %arg2[%get3A_6, %get3A_7] : memref<1x1xf32, #tpu.memory_space<vmem>>, vector<1x1xf32>
    %slice3A = vector.extract_strided_slice %dot_general3A_3 {offsets = [0, 0], sizes = [1, 1], strides = [1, 1]} : vector<2000x1xf32> to vector<1x1xf32>
    %add3A = arith.addf %get3A_8, %slice3A : vector<1x1xf32>
    %swap3A = arith.constant 0 : index
    %swap3A_9 = arith.constant 0 : index
    %swap3A_10 = vector.load %arg2[%swap3A, %swap3A_9] : memref<1x1xf32, #tpu.memory_space<vmem>>, vector<1x1xf32>
    tpu.vector_store %arg2[%swap3A, %swap3A_9], %add3A {strides = array<i32>} : memref<1x1xf32, #tpu.memory_space<vmem>>, vector<1x1xf32>,
    return
  }
  func.func @transform_0(%arg0: i32) -> (i32, i32) {
    %add3A = arith.constant 125 : i32
    %add3A_0 = arith.addi %arg0, %add3A : i32
    %c0_i32 = arith.constant 0 : i32
    %c0_i32_1 = arith.constant 0 : i32
    return %add3A_0, %c0_i32 : i32, i32
  }
  func.func @transform_1(%arg0: i32) -> (i32, i32) {
    %c0_i32 = arith.constant 0 : i32
    %c0_i32_0 = arith.constant 0 : i32
    %c0_i32_1 = arith.constant 0 : i32
    return %c0_i32, %c0_i32_0 : i32, i32
  }
}

</mosaic_0001>

<sc_bundles>
// kernel: kernel.4.cloned.1.call-start
scs
__scs_entry_jumppad:
0x0: {  	(pc) =	sbr.rel $0x88, $3  }
0x1: {  	(tag) =	ssettag $0x0;
	lr =	simm.s32 $0x1  }
0x2: {  	[smem:$0x3FA0] =	sst lr;
	_ =	strace $0xD0000000  }
0x3: {  	_ = 	snop  }
0x4: {  	_ = 	snop  }
0x5: {  	_ = 	snop  }
0x6: {  	_ = 	snop  }
0x7: {  	_ = 	snop  }
__scs_overlays_trampoline_lowered:
0x8: {  	[smem:$0x3FAF] =	sst s0  }
0x9: {  	[smem:$0x3FB0] =	sst s1  }
0xa: {  	[smem:$0x3FB1] =	sst s2  }
0xb: {  	[smem:$0x3FB2] =	sst s3  }
0xc: {  	[smem:$0x3FB3] =	sst s4  }
0xd: {  	[smem:$0x3FB4] =	sst s5  }
0xe: {  	[smem:$0x3FB5] =	sst s6  }
0xf: {  	[smem:$0x3FB6] =	sst s7  }
0x10: {  	[smem:$0x3FB7] =	sst s8  }
0x11: {  	[smem:$0x3FB8] =	sst s9;
	s0 =	simm.s32 @!p0 $0x0  }
0x12: {  	s1 =	sld [smem:$0x3F9E];
	s0 =	simm.s32 @p0 $0x1  }
0x13: {  	[smem:$0x3FB9] =	sst s0;
	s0 =	simm.s32 @!p1 $0x0  }
0x14: {  	s2 =	sld [smem:$0x3F9D];
	s0 =	simm.s32 @p1 $0x1  }
0x15: {  	[smem:$0x3FBA] =	sst s0;
	s0 =	simm.s32 @!p2 $0x0  }
0x16: {  	s3 =	sld [smem:$0x3FDB];
	s0 =	simm.s32 @p2 $0x1  }
0x17: {  	s4 =	simm.s32 $0x1BF5;
	[smem:$0x3FBC] =	sst s0  }
0x18: {  	s0 =	sld [smem:$0x3F9F];
	_ =	swait.ge [sflag:s4], $0x0  }
0x19: {  	s7 =	sld [smem:$0x3FA0]  }
0x1a: {  	s8 =	sadd.s32 $0xFFFFE003, lr  }
0x1b: {  	s9 =	sadd.s32 $0xFFFFFEF7, lr;
	s5 =	simm.s32 $0xFFFFFFFF;
	p2 =	slt.u32 s8, $0xFFFFF086  }
0x1c: {  	p1 =	slt.u32 s9, $0xF7A;
	s5 =	simm.s32 @!p2 $0x0  }
0x1d: {  	s5 =	simm.s32 @p1 $0x1;
	p0 =	seq.s32 s7, s2  }
0x1e: {  	s7 =	smul.u32 @!p0 $0xF7A, s2;
	p2 =	seq.s32 @!p0 s5, $0x0  }
0x1f: {  	s9 =	smul.u32 $0xF7A, s1;
	s8 =	simm.s32 @!p0 $0x1BF5;
	p2 =	por !p2, p0  }
0x20: {  	[sflag:s8] =	ssyncset.s32 @!p0 $0xFFFFF086;
	s6 =	sadd.s32 @!p0 s3, s7;
	s7 =	simm.s32 @!p0 $0x108  }
0x21: {  	s3 =	sadd.s32 s3, s9;
	s6 =	sadd.s32 @!p0 $0x88, s6;
	s7 =	simm.s32 @p2 $0x1082  }
0x22: {  	[simem:s7], [sflag:s8] =	dma.local @!p0 [hbm:s6], $0xF7A  }
0x23: {  	s9 =	sor.u32 $0xD0000000, s2;
	s6 =	simm.s32 $0x108;
	_ =	swait.ge @!p0 [sflag:s8], $0x0  }
0x24: {  	s3 =	sadd.s32 $0x88, s3;
	s6 =	simm.s32 @!p1 $0x1082;
	[sflag:s4] =	ssyncset.s32 $0xFFFFF086  }
0x25: {  	[simem:s6], [sflag:s4] =	dma.local [hbm:s3], $0xF7A  }
0x26: {  	[smem:$0x3FA0] =	sst s1;
	(tag) =	ssettag s2;
	_ =	strace s9  }
0x27: {  	s1 =	sld [smem:$0x3FB0]  }
0x28: {  	s2 =	sld [smem:$0x3FB1]  }
0x29: {  	s4 =	sld [smem:$0x3FB3]  }
0x2a: {  	p0 =	seq.s32 s5, $0x0;
	s5 =	sld [smem:$0x3FB4]  }
0x2b: {  	s6 =	sld [smem:$0x3FB5]  }
0x2c: {  	s7 =	sld [smem:$0x3FB6]  }
0x2d: {  	s3 =	simm.s32 $0x108;
	s8 =	sld [smem:$0x3FB7]  }
0x2e: {  	s3 =	simm.s32 @!p0 $0x1082;
	s9 =	sld [smem:$0x3FB8]  }
0x2f: {  	lr =	sadd.s32 s0, s3;
	s0 =	sld [smem:$0x3FAF]  }
0x30: {  	s3 =	sld [smem:$0x3FB2]  }
0x31: {  	[smem:$0x3FBB] =	sst s10  }
0x32: {  	s10 =	sld [smem:$0x3FB9];
	_ =	sdelay $0x3  }
0x33: {  	p0 =	seq.s32 s10, $0x1;
	s10 =	sld [smem:$0x3FBB];
	_ =	sdelay $0x3  }
0x34: {  	[smem:$0x3FBB] =	sst s10  }
0x35: {  	s10 =	sld [smem:$0x3FBA];
	_ =	sdelay $0x3  }
0x36: {  	p1 =	seq.s32 s10, $0x1;
	s10 =	sld [smem:$0x3FBB];
	_ =	sdelay $0x3  }
0x37: {  	[smem:$0x3FBB] =	sst s10  }
0x38: {  	s10 =	sld [smem:$0x3FBC]  }
0x39: {  	_ = 	snop;
	(pc) =	sbr.ind lr, $3  }
0x3a: {  	_ = 	snop  }
0x3b: {  	_ = 	snop  }
0x3c: {  	p2 =	seq.s32 s10, $0x1;
	s10 =	sld [smem:$0x3FBB]  }
0x3d: {  	_ =	shalt  }
0x3e: {  	_ =	shalt  }
0x3f: {  	_ =	shalt  }
0x40: {  	_ =	shalt  }
0x41: {  	_ =	shalt  }
0x42: {  	_ =	shalt  }
0x43: {  	_ =	shalt  }
0x44: {  	_ =	shalt  }
0x45: {  	_ =	shalt  }
0x46: {  	_ =	shalt  }
0x47: {  	_ =	shalt  }
0x48: {  	_ =	shalt  }
0x49: {  	_ =	shalt  }
0x4a: {  	_ =	shalt  }
0x4b: {  	_ =	shalt  }
0x4c: {  	_ =	shalt  }
0x4d: {  	_ =	shalt  }
0x4e: {  	_ =	shalt  }
0x4f: {  	_ =	shalt  }
0x50: {  	_ =	shalt  }
0x51: {  	_ =	shalt  }
0x52: {  	_ =	shalt  }
0x53: {  	_ =	shalt  }
0x54: {  	_ =	shalt  }
0x55: {  	_ =	shalt  }
0x56: {  	_ =	shalt  }
0x57: {  	_ =	shalt  }
0x58: {  	_ =	shalt  }
0x59: {  	_ =	shalt  }
0x5a: {  	_ =	shalt  }
0x5b: {  	_ =	shalt  }
0x5c: {  	_ =	shalt  }
0x5d: {  	_ =	shalt  }
0x5e: {  	_ =	shalt  }
0x5f: {  	_ =	shalt  }
0x60: {  	_ =	shalt  }
0x61: {  	_ =	shalt  }
0x62: {  	_ =	shalt  }
0x63: {  	_ =	shalt  }
0x64: {  	_ =	shalt  }
0x65: {  	_ =	shalt  }
0x66: {  	_ =	shalt  }
0x67: {  	_ =	shalt  }
0x68: {  	_ =	shalt  }
0x69: {  	_ =	shalt  }
0x6a: {  	_ =	shalt  }
0x6b: {  	_ =	shalt  }
0x6c: {  	_ =	shalt  }
0x6d: {  	_ =	shalt  }
0x6e: {  	_ =	shalt  }
0x6f: {  	_ =	shalt  }
0x70: {  	_ =	shalt  }
0x71: {  	_ =	shalt  }
0x72: {  	_ =	shalt  }
0x73: {  	_ =	shalt  }
0x74: {  	_ =	shalt  }
0x75: {  	_ =	shalt  }
0x76: {  	_ =	shalt  }
0x77: {  	_ =	shalt  }
0x78: {  	_ =	shalt  }
0x79: {  	_ =	shalt  }
0x7a: {  	_ =	shalt  }
0x7b: {  	_ =	shalt  }
0x7c: {  	_ =	shalt  }
0x7d: {  	_ =	shalt  }
0x7e: {  	_ =	shalt  }
0x7f: {  	_ =	shalt  }
0x80: {  	_ =	shalt  }
0x81: {  	_ =	shalt  }
0x82: {  	_ =	shalt  }
0x83: {  	_ =	shalt  }
0x84: {  	_ =	shalt  }
0x85: {  	_ =	shalt  }
0x86: {  	_ =	shalt  }
0x87: {  	_ =	shalt  }
.Lfunc_end0:
.L_simem_size_0:
called_computation_lowered:
.L_overlay_start_0:
0x88: {  	s2 =	sld [smem:$0x3FD9]  }
0x89: {  	s3 =	sld [smem:$0x3FFE];
	_ =	sdelay $0x1  }
0x8a: {  	s1 =	srdreg.scid  }
0x8b: {  	s0 =	sand.u32 $0x1, s1  }
0x8c: {  	s16 =	sshll.u32 s0, $0xA;
	s2 =	sadd.s32 s3, s2  }
0x8d: {  	s2 =	sadd.s32 s2, s16  }
0x8e: {  	[smem:$0x3FC7] =	sst s2  }
0x8f: {  	_ = 	snop  }
0x90: {  	(tm) =	ssettm $0x1  }
0x91: {  	s17 =	sld [smem:$0x3FFB];
	_ =	sdelay $0x3  }
0x92: {  	_ =	strace s17  }
0x93: {  	s2 =	sld [smem:$0x3FFC];
	_ =	sdelay $0x3  }
0x94: {  	_ =	strace s2  }
0x95: {  	s2 =	sld [smem:$0x3FFD];
	_ =	sdelay $0x3  }
0x96: {  	_ =	strace s2  }
0x97: {  	_ =	strace $0x8FFFFFFF  }
0x98: {  	s18 =	sld [smem:$0x3FDB];
	_ =	sdelay $0x1  }
0x99: {  	s19 =	simm.s32 $_scs_section_size  }
0x9a: {  	s4 =	simm.s32 $_size__tile_overlayer_lowered;
	s5 =	simm.s32 $_tile_overlayer_lowered  }
0x9b: {  	s22 =	simm.s32 $0x1BFF;
	s21 =	sshll.u32 s5, $0x1;
	s2 =	sadd.s32 s19, s18  }
0x9c: {  	s6 =	simm.s32 $0x0;
	s20 =	sshll.u32 s4, $0x1;
	s4 =	sadd.s32 s21, s2  }
0x9d: {  	[timem:s6], [sflag:s22] =	dma.local [hbm:s4], s20  }
0x9e: {  	_ =	swait.ge [sflag:s22], s20  }
0x9f: {  	s3 =	ssub.s32 $0x0, s20;
	[sflag:s22] =	ssyncset.done $0x0  }
0xa0: {  	[sflag:s22] =	ssyncadd.s32 s3;
	_ =	sdelay $0x1  }
0xa1: {  	s23 =	simm.s32 $0x1B8B  }
0xa2: {  	_ =	swait.ge [sflag:s23], $0x1  }
0xa3: {  	[sflag:s23] =	ssyncset.done $0x0  }
0xa4: {  	s25 =	simm.s32 $0x1B8E;
	s24 =	sld [smem:$0x3FFE];
	[sflag:s23] =	ssyncadd.s32 $0xFFFFFFFF  }
0xa5: {  	s26 =	simm.s32 $execute0_lowered;
	[smem:$0x3FD2] =	sst s25  }
0xa6: {  	s4 =	sshll.u32 s26, $0x1;
	_ =	strace $0x80000046;
	[dreg:$0x1] =	wrdreg $0xFFFFFFFF  }
0xa7: {  	s28 =	simm.s32 $_size_execute0_lowered;
	s2 =	sadd.s32 s2, s4;
	[dreg:$0x0] =	wrdreg $0x0  }
0xa8: {  	s4 =	sshll.u32 s28, $0x1;
	[dreg:$0x2] =	wrdreg s2  }
0xa9: {  	[dreg:$0x3] =	wrdreg s4  }
0xaa: {  	[dreg:$0x4] =	wrdreg $0xC0  }
0xab: {  	_ =	task [dreg:s6], $0x5FFFF  }
0xac: {  	[dreg:$0x1] =	wrdreg $0xFFFFFFFF  }
0xad: {  	[dreg:$0x0] =	wrdreg $0x60  }
0xae: {  	[dreg:$0x2] =	wrdreg s24  }
0xaf: {  	[dreg:$0x3] =	wrdreg $0x9  }
0xb0: {  	_ =	task.clear_ibuf [dreg:s6], $0x4FFFF;
	_ =	strace $0x90000046  }
0xb1: {  	s29 =	simm.s32 $0x9;
	_ =	strace $0x80000048  }
0xb2: {  	_ =	swait.ge [sflag:s29], $0x1  }
0xb3: {  	[sflag:s29] =	ssyncadd.s32 $0xFFFFFFFF  }
0xb4: {  	_ =	strace $0x90000048  }
0xb5: {  	_ =	sfence  }
0xb6: {  	s30 =	sld [smem:$0x0];
	_ =	sdelay $0x2  }
0xb7: {  	s31 =	sshll.u32 s1, $0xD;
	s1 =	sshrl.u32 s1, $0x2  }
0xb8: {  	s3 =	sand.u32 $0x4000, s31;
	s1 =	sadd.s32 s1, s30  }
0xb9: {  	s0 =	sor.u32 s3, s0;
	s1 =	sshll.u32 s1, $0x11  }
0xba: {  	s0 =	sor.u32 s1, s0  }
0xbb: {  	s0 =	sadd.s32 $0x8F2B, s0  }
0xbc: {  	[sflag:s0] =	ssyncadd.remote.s32 $0x1  }
0xbd: {  	_ =	sfence.sel $0xFFFF  }
0xbe: {  	[dreg:$0x0] =	wrdreg $0xFFFFFFFF;
	(pc) =	sbr.abs _section_cstart, $3  }
0xbf: {  	[dreg:$0x1] =	wrdreg $0xFFFFFFFF  }
0xc0: {  	_ =	task.clear_ibuf [dreg:s6], $0x2FFFF;
	_ =	strace $0x9FFFFFFF  }
0xc1: {  	(tm) =	ssettm $0x7FFFFFFF  }
tec
execute0_lowered:
.L_overlay_start_1:
0x0: {  	(tag) =	ssettag $0x1  }
0x1: {  	s12 =	rddreg [dreg:$0x0]  }
0x2: {  	s0 =	rddreg [dreg:$0x1]  }
0x3: {  	s3 =	srdreg.scid;
	s1 =	stileid.u32  }
0x4: {  	s2 =	simm.s32 $0x0;
	s3 =	sand.u32 $0x1, s3;
	s4 =	sshll.u32 s1, $0x1  }
0x5: {  	[smem:$0x7FF] =	sst s2;
	s5 =	sor.u32 s3, s4;
	s3 =	ssub.s32 $0x2, s3  }
0x6: {  	_ =	strace $0x80000047;
	s4 =	sshll.u32 s5, $0x4;
	s6 =	sshrl.u32 s3, $0x1  }
0x7: {  	s7 =	smul.u32 $0x3E80, s5;
	s13 =	sor.u32 $0xE0, s5;
	s4 =	sadd.s32 s4, s12  }
0x8: {  	s6 =	ssub.s32 s3, s6;
	s14 =	smul.u32 $0x3E80, s13;
	p0 =	sgt.u32 s13, $0xF9  }
0x9: {  	s13 =	simm.s32 $0x1;
	s3 =	sadd.s32 $0x7A1200, s4;
	s4 =	sadd.s32 s12, s7  }
0xa: {  	s5 =	smax.u32 s6, $0x1;
	s6 =	sadd.s32 $0x7D000, s4;
	s7 =	sadd.s32 $0xFA000, s4  }
0xb: {  	s8 =	sadd.s32 $0x177000, s4;
	s9 =	sadd.s32 $0x1F4000, s4;
	s10 =	sadd.s32 $0x271000, s4  }
0xc: {  	s11 =	sadd.s32 $0x2EE000, s4;
	s12 =	sadd.s32 s12, s14;
	s14 =	simm.s32 $0x1F400  }
.LBB2_1:
0xd: {  	[tilespmem:s2], [sflag:$0x1] =	stream.linear.gather [hbm4b:s4+s2], $0x1F400, $0x38;
	[tilespmem:$0x1F480] =	vst v63  }
0xe: {  	_ =	swait.ge [sflag:s13], $0x1F400  }
0xf: {  	[sflag:s13] =	ssyncset.done $0x0  }
0x10: {  	[sflag:s13] =	ssyncadd.s32 $0xFFFE0C00  }
0x11: {  	v0 =	vld [tilespmem:$0x0];
	[tilespmem:s2], [sflag:$0x1] =	stream.linear.gather [hbm4b:s6+s2], $0x1F400, $0x38  }
0x12: {  	_ =	swait.ge [sflag:s13], $0x1F400  }
0x13: {  	[sflag:s13] =	ssyncset.done $0x0  }
0x14: {  	[sflag:s13] =	ssyncadd.s32 $0xFFFE0C00  }
0x15: {  	v1 =	vld [tilespmem:$0x0];
	[tilespmem:s2], [sflag:$0x1] =	stream.linear.gather [hbm4b:s7+s2], $0x1F400, $0x38  }
0x16: {  	_ =	swait.ge [sflag:s13], $0x1F400  }
0x17: {  	[sflag:s13] =	ssyncset.done $0x0  }
0x18: {  	[sflag:s13] =	ssyncadd.s32 $0xFFFE0C00  }
0x19: {  	v2 =	vld [tilespmem:$0x0];
	[tilespmem:s2], [sflag:$0x1] =	stream.linear.gather [hbm4b:s8+s2], $0x1F400, $0x38  }
0x1a: {  	_ =	swait.ge [sflag:s13], $0x1F400  }
0x1b: {  	[sflag:s13] =	ssyncset.done $0x0  }
0x1c: {  	[sflag:s13] =	ssyncadd.s32 $0xFFFE0C00  }
0x1d: {  	v3 =	vld [tilespmem:$0x0];
	[tilespmem:s2], [sflag:$0x1] =	stream.linear.gather [hbm4b:s9+s2], $0x1F400, $0x38  }
0x1e: {  	_ =	swait.ge [sflag:s13], $0x1F400  }
0x1f: {  	[sflag:s13] =	ssyncset.done $0x0  }
0x20: {  	[sflag:s13] =	ssyncadd.s32 $0xFFFE0C00  }
0x21: {  	v4 =	vld [tilespmem:$0x0];
	[tilespmem:s2], [sflag:$0x1] =	stream.linear.gather [hbm4b:s10+s2], $0x1F400, $0x38  }
0x22: {  	_ =	swait.ge [sflag:s13], $0x1F400  }
0x23: {  	[sflag:s13] =	ssyncset.done $0x0  }
0x24: {  	[sflag:s13] =	ssyncadd.s32 $0xFFFE0C00  }
0x25: {  	v0 =	vadd.f32 $0.0e+00, v0;
	v5 =	vld [tilespmem:$0x0];
	[tilespmem:s2], [sflag:$0x1] =	stream.linear.gather [hbm4b:s11+s2], $0x1F400, $0x38  }
0x26: {  	_ =	swait.ge [sflag:s13], $0x1F400  }
0x27: {  	v0 =	vadd.f32 v1, v0;
	[sflag:s13] =	ssyncset.done $0x0  }
0x28: {  	s15 =	simm.s32 @!p0 $0x0;
	[sflag:s13] =	ssyncadd.s32 $0xFFFE0C00  }
0x29: {  	v0 =	vadd.f32 v2, v0;
	v62 =	vld [tilespmem:$0x0];
	[tilespmem:s15], [sflag:$0x1] =	stream.linear.gather @!p0 [hbm4b:s12+s15], $0x1F400, $0x38  }
0x2a: {  	s15 =	simm.s32 @!p0 $0x1  }
0x2b: {  	v0 =	vadd.f32 v3, v0;
	_ =	swait.ge @!p0 [sflag:s15], $0x1F400  }
0x2c: {  	[sflag:s15] =	ssyncset.done @!p0 $0x0  }
0x2d: {  	v0 =	vadd.f32 v4, v0;
	[sflag:s15] =	ssyncadd.s32 @!p0 $0xFFFE0C00  }
0x2e: {  	v63 =	vld [tilespmem:$0x0]  }
0x2f: {  	v0 =	vadd.f32 v5, v0;
	_ =	sdelay $0x1  }
0x30: {  	v0 =	vadd.f32 v62, v0;
	_ =	sdelay $0x1  }
0x31: {  	s5 =	sadd.s32 $0xFFFFFFFF, s5;
	v0 =	vadd.f32 v63, v0  }
0x32: {  	p1 =	sne.s32 s5, $0x0  }
.Ltmp0:
0x33: {  	[tilespmem:$0x1F400] =	vst v0;
	(pc) =	sbr.rel @p1 .LBB2_1-.Ltmp0, $4  }
0x34: {  	[hbm4b:s3+s2] =	stream.linear.scatter [tilespmem:s14], [sflag:$0x1], $0x80, $0x38;
	[tilespmem:$0x1F480] =	vst v63  }
0x35: {  	_ =	swait.ge [sflag:s13], $0x80  }
0x36: {  	[sflag:s13] =	ssyncset.done $0x0  }
0x37: {  	[sflag:s13] =	ssyncadd.s32 $0xFFFFFF80  }
0x38: {  	_ =	sfence.sel $0x180000  }
0x39: {  	[bflag:$0x0] =	sbarrier.arrive $0xFFFF  }
0x3a: {  	p0 =	sne.s32 s1, $0x0;
	_ =	strace $0x90000047  }
0x3b: {  	s0 =	sadd.s32 @!p0 $0x100000, s0;
	[bflag:$0x2] =	sbarrier.arrive $0xFFFF  }
0x3c: {  	[sflag:s0] =	ssyncadd.tile.s32 @!p0 $0x1;
	_ =	shalt  }
.Lfunc_end2:
_tile_overlayer_lowered:
.L_overlay_start_2:
0x3d: {  	(tag) =	ssettag $0x2  }
0x3e: {  	s0 =	rddreg [dreg:$0x0];
	s2 =	stileid.u32  }
0x3f: {  	s1 =	rddreg [dreg:$0x1];
	p0 =	sne.s32 s2, $0x0  }
0x40: {  	s3 =	rddreg [dreg:$0x2];
	[bflag:$0x3] =	sbarrier.arrive $0xFFFF;
	s2 =	simm.s32 @!p0 $0x1C01  }
0x41: {  	[timem:s3], [sflag:s2] =	dma.local @!p0 [hbm:s0], s1  }
0x42: {  	s0 =	simm.s32 @!p0 $0x1  }
0x43: {  	_ =	swait.ge @!p0 [sflag:s0], s1  }
0x44: {  	s1 =	ssub.s32 @!p0 $0x0, s1;
	[sflag:s0] =	ssyncset.done @!p0 $0x0  }
0x45: {  	[sflag:s0] =	ssyncadd.s32 @!p0 s1  }
0x46: {  	[bflag:$0x3] =	sbarrier.arrive $0xFFFF  }
0x47: {  	_ =	shalt  }

</sc_bundles>
